<compile_context>
chip_gen: v7x
topology: tpu7x:2x2x1
jax: 0.10.2.dev20260603
libtpu: 0.0.44.dev20260713+nightly
codegen_flags: <defaults>
</compile_context>

<pallas_src>
import functools

import jax
import jax.numpy as jnp
from jax import lax
from jax.experimental import pallas as pl
from jax.experimental.pallas import tpu as pltpu
from jax.experimental.pallas import tpu_sc as plsc

_CHUNKS = (128, 128, 128, 128)
_NSTAGE = 8


@functools.lru_cache(maxsize=None)
def _make_gather(V, D, B):
    info = plsc.get_sparse_core_info()
    NC, NS = info.num_cores, info.num_subcores
    NW = NC * NS
    assert B % (8 * NW) == 0
    b_per_w = B // NW
    assert sum(_CHUNKS) == b_per_w and all(c % 8 == 0 for c in _CHUNKS)
    offs = [sum(_CHUNKS[:i]) for i in range(len(_CHUNKS))]
    rows_per_stage = 128
    tail_start = (_NSTAGE - 1) * rows_per_stage
    tail_rows = V - tail_start
    assert 0 < tail_rows <= rows_per_stage and tail_start % 8 == 0
    mesh = plsc.VectorSubcoreMesh(core_axis_name="c", subcore_axis_name="s")

    @functools.partial(
        pl.kernel,
        mesh=mesh,
        out_type=jax.ShapeDtypeStruct((B, D), jnp.float32),
        scratch_types=[
            pltpu.VMEM_SHARED((V, D), jnp.float32),
            pltpu.VMEM((b_per_w,), jnp.int32),
            *[pltpu.VMEM((c, D), jnp.float32) for c in _CHUNKS],
            pltpu.SemaphoreType.DMA,
            pltpu.SemaphoreType.DMA,
        ],
    )
    def k(table_hbm, idx_hbm, out_hbm, table_sp, idx_v, *rest):
        bufs = rest[: len(_CHUNKS)]
        gsem, ssem = rest[len(_CHUNKS):]
        cid = lax.axis_index("c")
        sid = lax.axis_index("s")
        wid = sid * NC + cid
        base = wid * b_per_w
        pltpu.sync_copy(idx_hbm.at[pl.ds(base, b_per_w)], idx_v)

        @pl.when(sid < _NSTAGE - 1)
        def _stage():
            r0 = sid * rows_per_stage
            pltpu.sync_copy(
                table_hbm.at[pl.ds(r0, rows_per_stage)],
                table_sp.at[pl.ds(r0, rows_per_stage)],
            )

        @pl.when(sid == _NSTAGE - 1)
        def _stage_tail():
            pltpu.sync_copy(
                table_hbm.at[pl.ds(tail_start, tail_rows)],
                table_sp.at[pl.ds(tail_start, tail_rows)],
            )

        plsc.subcore_barrier()
        gathers = [
            pltpu.async_copy(
                table_sp.at[idx_v.at[pl.ds(offs[i], _CHUNKS[i])]],
                bufs[i],
                gsem,
            )
            for i in range(len(_CHUNKS))
        ]
        stores = []
        for i in range(len(_CHUNKS)):
            gathers[i].wait()
            stores.append(
                pltpu.async_copy(
                    bufs[i],
                    out_hbm.at[pl.ds(base + offs[i], _CHUNKS[i])],
                    ssem,
                )
            )
        for st in stores:
            st.wait()

    return k


def kernel(t, time_embeddings):
    B = t.shape[0]
    V, D = time_embeddings.shape
    idx = t.reshape(B)
    return _make_gather(V, D, B)(time_embeddings, idx)

# --- scband reference (transcript-rebuilt; emitter-appended) ---
"""Pipeline reference for scband-sinusoidal-time-encoder-3959959847265 (READ-ONLY COPY).

The authoritative reference and input builder live on the scoring server;
editing this copy changes nothing except your own understanding.
"""

import jax, jax.numpy as jnp
import numpy as np

TIME_STEPS = 1000
MODEL_DIM = 128
BATCH = 16384


def _build_table(time_steps, model_dim):
    constants = jnp.exp(-jnp.arange(0, model_dim, 2, dtype=jnp.float32) * (jnp.log(jnp.float32(10000.0)) / model_dim))
    pos = jnp.arange(0, time_steps, dtype=jnp.float32)[:, None]
    sin_part = jnp.sin(pos * constants[None, :])
    cos_part = jnp.cos(pos * constants[None, :])
    table = jnp.zeros((time_steps, model_dim), dtype=jnp.float32)
    table = table.at[:, ::2].set(sin_part)
    table = table.at[:, 1::2].set(cos_part)
    return table


def setup_inputs(seed: int = 0) -> dict:
    key = jax.random.key(seed)
    t = jax.random.randint(key, (BATCH, 1), 0, TIME_STEPS)
    time_embeddings = _build_table(TIME_STEPS, MODEL_DIM)
    return {"t": t, "time_embeddings": time_embeddings}


def reference(t, time_embeddings):
    # time_embeddings[t] with t of shape (B, 1) -> (B, 1, D); squeeze -> (B, D)
    out = jnp.take(time_embeddings, t, axis=0)
    return jnp.squeeze(out)

if __name__ == "__main__":
    import jax
    _d = setup_inputs()
    print(jax.jit(kernel)(*tuple(_d.values())))

</pallas_src>

<mosaic_0001>
#map = affine_map<(d0, d1) -> (0, 0)>
#map1 = affine_map<(d0, d1) -> (0)>
module attributes {stable_mosaic.version = 14 : i64} {
  func.func @k(%arg0: i32, %arg1: i32, %arg2: memref<1000x128xf32, #tpu.memory_space<hbm>>, %arg3: memref<16384xi32, #tpu.memory_space<hbm>>, %arg4: memref<16384x128xf32, #tpu.memory_space<hbm>>, %arg5: memref<1000x128xf32, #tpu.memory_space<vmem_shared>>, %arg6: memref<512xi32, #tpu.memory_space<vmem>>, %arg7: memref<128x128xf32, #tpu.memory_space<vmem>>, %arg8: memref<128x128xf32, #tpu.memory_space<vmem>>, %arg9: memref<128x128xf32, #tpu.memory_space<vmem>>, %arg10: memref<128x128xf32, #tpu.memory_space<vmem>>, %arg11: memref<!tpu.dma_semaphore, #tpu.memory_space<semaphore_mem>>, %arg12: memref<!tpu.dma_semaphore, #tpu.memory_space<semaphore_mem>>) attributes {dimension_semantics = [#tpu.dimension_semantics<core_parallel>, #tpu.dimension_semantics<subcore_parallel>], iteration_bounds = array<i64: 2, 16>, scalar_prefetch = 0 : i64, scratch_operands = 8 : i64, tpu.core_type = #tpu.core_type<sc_vector_subcore>, window_params = [{transform_indices = #map}, {transform_indices = #map1}, {transform_indices = #map}]} {
    %mul3A = arith.constant 2 : i32
    %mul3A_0 = arith.muli %arg1, %mul3A : i32
    %add3A = arith.addi %mul3A_0, %arg0 : i32
    %mul3A_1 = arith.constant 512 : i32
    %mul3A_2 = arith.muli %add3A, %mul3A_1 : i32
    "tpu.region"() ({
      %run_scoped3A = tpu.sem_alloc : memref<!tpu.dma_semaphore, #tpu.memory_space<semaphore_mem>>
      %dma_start3A_87 = tpu.memref_slice %arg3[%mul3A_2] : memref<16384xi32, #tpu.memory_space<hbm>> -> memref<512xi32, #tpu.memory_space<hbm>>
      %dma_start3A_88 = tpu.memref_slice %arg3[%mul3A_2] : memref<16384xi32, #tpu.memory_space<hbm>> -> memref<512xi32, #tpu.memory_space<hbm>>
      tpu.enqueue_dma source(%dma_start3A_88 : memref<512xi32, #tpu.memory_space<hbm>>) target(%arg6 : memref<512xi32, #tpu.memory_space<vmem>>) target_semaphore(%run_scoped3A : memref<!tpu.dma_semaphore, #tpu.memory_space<semaphore_mem>>)
      %dma_wait3A_89 = tpu.memref_slice %arg3[%mul3A_2] : memref<16384xi32, #tpu.memory_space<hbm>> -> memref<512xi32, #tpu.memory_space<hbm>>
      %dma_wait3A_90 = tpu.memref_slice %arg3[%mul3A_2] : memref<16384xi32, #tpu.memory_space<hbm>> -> memref<512xi32, #tpu.memory_space<hbm>>
      tpu.wait_dma2 semaphore(%run_scoped3A : memref<!tpu.dma_semaphore, #tpu.memory_space<semaphore_mem>>) src(%dma_wait3A_90 : memref<512xi32, #tpu.memory_space<hbm>>) dst(%arg6 : memref<512xi32, #tpu.memory_space<vmem>>)
      tpu.yield
    }) : () -> ()
    %lt3A = arith.constant 7 : i32
    %lt3A_3 = arith.cmpi slt, %arg1, %lt3A : i32
    %convert_element_type3A = arith.extui %lt3A_3 : i1 to i32
    %cond3A = arith.constant 0 : i32
    %cond3A_4 = arith.cmpi ne, %convert_element_type3A, %cond3A : i32
    scf.if %cond3A_4 {
      %mul3A_87 = arith.constant 128 : i32
      %mul3A_88 = arith.muli %arg1, %mul3A_87 : i32
      "tpu.region"() ({
        %run_scoped3A = tpu.sem_alloc : memref<!tpu.dma_semaphore, #tpu.memory_space<semaphore_mem>>
        %dma_start3A_89 = arith.constant 0 : i32
        %dma_start3A_90 = tpu.memref_slice %arg5[%mul3A_88, %dma_start3A_89] : memref<1000x128xf32, #tpu.memory_space<vmem_shared>> -> memref<128x128xf32, #tpu.memory_space<vmem_shared>>
        %dma_start3A_91 = arith.constant 0 : i32
        %dma_start3A_92 = tpu.memref_slice %arg2[%mul3A_88, %dma_start3A_91] : memref<1000x128xf32, #tpu.memory_space<hbm>> -> memref<128x128xf32, #tpu.memory_space<hbm>>
        tpu.enqueue_dma source(%dma_start3A_92 : memref<128x128xf32, #tpu.memory_space<hbm>>) target(%dma_start3A_90 : memref<128x128xf32, #tpu.memory_space<vmem_shared>>) target_semaphore(%run_scoped3A : memref<!tpu.dma_semaphore, #tpu.memory_space<semaphore_mem>>)
        %dma_wait3A_93 = arith.constant 0 : i32
        %dma_wait3A_94 = tpu.memref_slice %arg5[%mul3A_88, %dma_wait3A_93] : memref<1000x128xf32, #tpu.memory_space<vmem_shared>> -> memref<128x128xf32, #tpu.memory_space<vmem_shared>>
        %dma_wait3A_95 = arith.constant 0 : i32
        %dma_wait3A_96 = tpu.memref_slice %arg2[%mul3A_88, %dma_wait3A_95] : memref<1000x128xf32, #tpu.memory_space<hbm>> -> memref<128x128xf32, #tpu.memory_space<hbm>>
        tpu.wait_dma2 semaphore(%run_scoped3A : memref<!tpu.dma_semaphore, #tpu.memory_space<semaphore_mem>>) src(%dma_wait3A_96 : memref<128x128xf32, #tpu.memory_space<hbm>>) dst(%dma_wait3A_94 : memref<128x128xf32, #tpu.memory_space<vmem_shared>>)
        tpu.yield
      }) : () -> ()
    } else {
    }
    %eq3A = arith.constant 7 : i32
    %eq3A_5 = arith.cmpi eq, %arg1, %eq3A : i32
    %convert_element_type3A_6 = arith.extui %eq3A_5 : i1 to i32
    %cond3A_7 = arith.constant 0 : i32
    %cond3A_8 = arith.cmpi ne, %convert_element_type3A_6, %cond3A_7 : i32
    scf.if %cond3A_8 {
      "tpu.region"() ({
        %run_scoped3A = tpu.sem_alloc : memref<!tpu.dma_semaphore, #tpu.memory_space<semaphore_mem>>
        %dma_start3A_87 = arith.constant 896 : i32
        %dma_start3A_88 = arith.constant 0 : i32
        %dma_start3A_89 = tpu.memref_slice %arg5[%dma_start3A_87, %dma_start3A_88] : memref<1000x128xf32, #tpu.memory_space<vmem_shared>> -> memref<104x128xf32, #tpu.memory_space<vmem_shared>>
        %dma_start3A_90 = arith.constant 896 : i32
        %dma_start3A_91 = arith.constant 0 : i32
        %dma_start3A_92 = tpu.memref_slice %arg2[%dma_start3A_90, %dma_start3A_91] : memref<1000x128xf32, #tpu.memory_space<hbm>> -> memref<104x128xf32, #tpu.memory_space<hbm>>
        tpu.enqueue_dma source(%dma_start3A_92 : memref<104x128xf32, #tpu.memory_space<hbm>>) target(%dma_start3A_89 : memref<104x128xf32, #tpu.memory_space<vmem_shared>>) target_semaphore(%run_scoped3A : memref<!tpu.dma_semaphore, #tpu.memory_space<semaphore_mem>>)
        %dma_wait3A_93 = arith.constant 896 : i32
        %dma_wait3A_94 = arith.constant 0 : i32
        %dma_wait3A_95 = tpu.memref_slice %arg5[%dma_wait3A_93, %dma_wait3A_94] : memref<1000x128xf32, #tpu.memory_space<vmem_shared>> -> memref<104x128xf32, #tpu.memory_space<vmem_shared>>
        %dma_wait3A_96 = arith.constant 896 : i32
        %dma_wait3A_97 = arith.constant 0 : i32
        %dma_wait3A_98 = tpu.memref_slice %arg2[%dma_wait3A_96, %dma_wait3A_97] : memref<1000x128xf32, #tpu.memory_space<hbm>> -> memref<104x128xf32, #tpu.memory_space<hbm>>
        tpu.wait_dma2 semaphore(%run_scoped3A : memref<!tpu.dma_semaphore, #tpu.memory_space<semaphore_mem>>) src(%dma_wait3A_98 : memref<104x128xf32, #tpu.memory_space<hbm>>) dst(%dma_wait3A_95 : memref<104x128xf32, #tpu.memory_space<vmem_shared>>)
        tpu.yield
      }) : () -> ()
    } else {
    }
    %barrier3A = arith.constant 0 : index
    tpu.barrier barrier_id(%barrier3A)
    %dma_start3A = arith.constant 0 : i32
    %dma_start3A_9 = tpu.memref_slice %arg6[%dma_start3A] : memref<512xi32, #tpu.memory_space<vmem>> -> memref<128xi32, #tpu.memory_space<vmem>>
    %dma_start3A_10 = arith.constant 0 : i32
    %dma_start3A_11 = arith.constant 0 : i32
    %dma_start3A_12 = tpu.memref_slice %arg5[%dma_start3A_10, %dma_start3A_11] : memref<1000x128xf32, #tpu.memory_space<vmem_shared>> -> memref<1000x128xf32, #tpu.memory_space<vmem_shared>>
    tpu.enqueue_indirect_dma source(%dma_start3A_12 : memref<1000x128xf32, #tpu.memory_space<vmem_shared>>) target(%arg7 : memref<128x128xf32, #tpu.memory_space<vmem>>) offsets(%dma_start3A_9 : memref<128xi32, #tpu.memory_space<vmem>>) semaphore(%arg11 : memref<!tpu.dma_semaphore, #tpu.memory_space<semaphore_mem>>)
    %dma_start3A_13 = arith.constant 128 : i32
    %dma_start3A_14 = tpu.memref_slice %arg6[%dma_start3A_13] : memref<512xi32, #tpu.memory_space<vmem>> -> memref<128xi32, #tpu.memory_space<vmem>>
    %dma_start3A_15 = arith.constant 0 : i32
    %dma_start3A_16 = arith.constant 0 : i32
    %dma_start3A_17 = tpu.memref_slice %arg5[%dma_start3A_15, %dma_start3A_16] : memref<1000x128xf32, #tpu.memory_space<vmem_shared>> -> memref<1000x128xf32, #tpu.memory_space<vmem_shared>>
    tpu.enqueue_indirect_dma source(%dma_start3A_17 : memref<1000x128xf32, #tpu.memory_space<vmem_shared>>) target(%arg8 : memref<128x128xf32, #tpu.memory_space<vmem>>) offsets(%dma_start3A_14 : memref<128xi32, #tpu.memory_space<vmem>>) semaphore(%arg11 : memref<!tpu.dma_semaphore, #tpu.memory_space<semaphore_mem>>)
    %dma_start3A_18 = arith.constant 256 : i32
    %dma_start3A_19 = tpu.memref_slice %arg6[%dma_start3A_18] : memref<512xi32, #tpu.memory_space<vmem>> -> memref<128xi32, #tpu.memory_space<vmem>>
    %dma_start3A_20 = arith.constant 0 : i32
    %dma_start3A_21 = arith.constant 0 : i32
    %dma_start3A_22 = tpu.memref_slice %arg5[%dma_start3A_20, %dma_start3A_21] : memref<1000x128xf32, #tpu.memory_space<vmem_shared>> -> memref<1000x128xf32, #tpu.memory_space<vmem_shared>>
    tpu.enqueue_indirect_dma source(%dma_start3A_22 : memref<1000x128xf32, #tpu.memory_space<vmem_shared>>) target(%arg9 : memref<128x128xf32, #tpu.memory_space<vmem>>) offsets(%dma_start3A_19 : memref<128xi32, #tpu.memory_space<vmem>>) semaphore(%arg11 : memref<!tpu.dma_semaphore, #tpu.memory_space<semaphore_mem>>)
    %dma_start3A_23 = arith.constant 384 : i32
    %dma_start3A_24 = tpu.memref_slice %arg6[%dma_start3A_23] : memref<512xi32, #tpu.memory_space<vmem>> -> memref<128xi32, #tpu.memory_space<vmem>>
    %dma_start3A_25 = arith.constant 0 : i32
    %dma_start3A_26 = arith.constant 0 : i32
    %dma_start3A_27 = tpu.memref_slice %arg5[%dma_start3A_25, %dma_start3A_26] : memref<1000x128xf32, #tpu.memory_space<vmem_shared>> -> memref<1000x128xf32, #tpu.memory_space<vmem_shared>>
    tpu.enqueue_indirect_dma source(%dma_start3A_27 : memref<1000x128xf32, #tpu.memory_space<vmem_shared>>) target(%arg10 : memref<128x128xf32, #tpu.memory_space<vmem>>) offsets(%dma_start3A_24 : memref<128xi32, #tpu.memory_space<vmem>>) semaphore(%arg11 : memref<!tpu.dma_semaphore, #tpu.memory_space<semaphore_mem>>)
    %dma_wait3A = arith.constant 0 : i32
    %dma_wait3A_28 = tpu.memref_slice %arg6[%dma_wait3A] : memref<512xi32, #tpu.memory_space<vmem>> -> memref<128xi32, #tpu.memory_space<vmem>>
    %dma_wait3A_29 = arith.constant 0 : i32
    %dma_wait3A_30 = arith.constant 0 : i32
    %dma_wait3A_31 = tpu.memref_slice %arg5[%dma_wait3A_29, %dma_wait3A_30] : memref<1000x128xf32, #tpu.memory_space<vmem_shared>> -> memref<1000x128xf32, #tpu.memory_space<vmem_shared>>
    tpu.wait_indirect_dma semaphore(%arg11 : memref<!tpu.dma_semaphore, #tpu.memory_space<semaphore_mem>>) src(%dma_wait3A_31 : memref<1000x128xf32, #tpu.memory_space<vmem_shared>>) dst(%arg7 : memref<128x128xf32, #tpu.memory_space<vmem>>)
    %add3A_32 = arith.constant 0 : i32
    %add3A_33 = arith.addi %mul3A_2, %add3A_32 : i32
    %dma_start3A_34 = arith.constant 0 : i32
    %dma_start3A_35 = tpu.memref_slice %arg4[%add3A_33, %dma_start3A_34] : memref<16384x128xf32, #tpu.memory_space<hbm>> -> memref<128x128xf32, #tpu.memory_space<hbm>>
    %dma_start3A_36 = arith.constant 0 : i32
    %dma_start3A_37 = tpu.memref_slice %arg4[%add3A_33, %dma_start3A_36] : memref<16384x128xf32, #tpu.memory_space<hbm>> -> memref<128x128xf32, #tpu.memory_space<hbm>>
    tpu.enqueue_dma source(%arg7 : memref<128x128xf32, #tpu.memory_space<vmem>>) target(%dma_start3A_37 : memref<128x128xf32, #tpu.memory_space<hbm>>) target_semaphore(%arg12 : memref<!tpu.dma_semaphore, #tpu.memory_space<semaphore_mem>>)
    %dma_wait3A_38 = arith.constant 128 : i32
    %dma_wait3A_39 = tpu.memref_slice %arg6[%dma_wait3A_38] : memref<512xi32, #tpu.memory_space<vmem>> -> memref<128xi32, #tpu.memory_space<vmem>>
    %dma_wait3A_40 = arith.constant 0 : i32
    %dma_wait3A_41 = arith.constant 0 : i32
    %dma_wait3A_42 = tpu.memref_slice %arg5[%dma_wait3A_40, %dma_wait3A_41] : memref<1000x128xf32, #tpu.memory_space<vmem_shared>> -> memref<1000x128xf32, #tpu.memory_space<vmem_shared>>
    tpu.wait_indirect_dma semaphore(%arg11 : memref<!tpu.dma_semaphore, #tpu.memory_space<semaphore_mem>>) src(%dma_wait3A_42 : memref<1000x128xf32, #tpu.memory_space<vmem_shared>>) dst(%arg8 : memref<128x128xf32, #tpu.memory_space<vmem>>)
    %add3A_43 = arith.constant 128 : i32
    %add3A_44 = arith.addi %mul3A_2, %add3A_43 : i32
    %dma_start3A_45 = arith.constant 0 : i32
    %dma_start3A_46 = tpu.memref_slice %arg4[%add3A_44, %dma_start3A_45] : memref<16384x128xf32, #tpu.memory_space<hbm>> -> memref<128x128xf32, #tpu.memory_space<hbm>>
    %dma_start3A_47 = arith.constant 0 : i32
    %dma_start3A_48 = tpu.memref_slice %arg4[%add3A_44, %dma_start3A_47] : memref<16384x128xf32, #tpu.memory_space<hbm>> -> memref<128x128xf32, #tpu.memory_space<hbm>>
    tpu.enqueue_dma source(%arg8 : memref<128x128xf32, #tpu.memory_space<vmem>>) target(%dma_start3A_48 : memref<128x128xf32, #tpu.memory_space<hbm>>) target_semaphore(%arg12 : memref<!tpu.dma_semaphore, #tpu.memory_space<semaphore_mem>>)
    %dma_wait3A_49 = arith.constant 256 : i32
    %dma_wait3A_50 = tpu.memref_slice %arg6[%dma_wait3A_49] : memref<512xi32, #tpu.memory_space<vmem>> -> memref<128xi32, #tpu.memory_space<vmem>>
    %dma_wait3A_51 = arith.constant 0 : i32
    %dma_wait3A_52 = arith.constant 0 : i32
    %dma_wait3A_53 = tpu.memref_slice %arg5[%dma_wait3A_51, %dma_wait3A_52] : memref<1000x128xf32, #tpu.memory_space<vmem_shared>> -> memref<1000x128xf32, #tpu.memory_space<vmem_shared>>
    tpu.wait_indirect_dma semaphore(%arg11 : memref<!tpu.dma_semaphore, #tpu.memory_space<semaphore_mem>>) src(%dma_wait3A_53 : memref<1000x128xf32, #tpu.memory_space<vmem_shared>>) dst(%arg9 : memref<128x128xf32, #tpu.memory_space<vmem>>)
    %add3A_54 = arith.constant 256 : i32
    %add3A_55 = arith.addi %mul3A_2, %add3A_54 : i32
    %dma_start3A_56 = arith.constant 0 : i32
    %dma_start3A_57 = tpu.memref_slice %arg4[%add3A_55, %dma_start3A_56] : memref<16384x128xf32, #tpu.memory_space<hbm>> -> memref<128x128xf32, #tpu.memory_space<hbm>>
    %dma_start3A_58 = arith.constant 0 : i32
    %dma_start3A_59 = tpu.memref_slice %arg4[%add3A_55, %dma_start3A_58] : memref<16384x128xf32, #tpu.memory_space<hbm>> -> memref<128x128xf32, #tpu.memory_space<hbm>>
    tpu.enqueue_dma source(%arg9 : memref<128x128xf32, #tpu.memory_space<vmem>>) target(%dma_start3A_59 : memref<128x128xf32, #tpu.memory_space<hbm>>) target_semaphore(%arg12 : memref<!tpu.dma_semaphore, #tpu.memory_space<semaphore_mem>>)
    %dma_wait3A_60 = arith.constant 384 : i32
    %dma_wait3A_61 = tpu.memref_slice %arg6[%dma_wait3A_60] : memref<512xi32, #tpu.memory_space<vmem>> -> memref<128xi32, #tpu.memory_space<vmem>>
    %dma_wait3A_62 = arith.constant 0 : i32
    %dma_wait3A_63 = arith.constant 0 : i32
    %dma_wait3A_64 = tpu.memref_slice %arg5[%dma_wait3A_62, %dma_wait3A_63] : memref<1000x128xf32, #tpu.memory_space<vmem_shared>> -> memref<1000x128xf32, #tpu.memory_space<vmem_shared>>
    tpu.wait_indirect_dma semaphore(%arg11 : memref<!tpu.dma_semaphore, #tpu.memory_space<semaphore_mem>>) src(%dma_wait3A_64 : memref<1000x128xf32, #tpu.memory_space<vmem_shared>>) dst(%arg10 : memref<128x128xf32, #tpu.memory_space<vmem>>)
    %add3A_65 = arith.constant 384 : i32
    %add3A_66 = arith.addi %mul3A_2, %add3A_65 : i32
    %dma_start3A_67 = arith.constant 0 : i32
    %dma_start3A_68 = tpu.memref_slice %arg4[%add3A_66, %dma_start3A_67] : memref<16384x128xf32, #tpu.memory_space<hbm>> -> memref<128x128xf32, #tpu.memory_space<hbm>>
    %dma_start3A_69 = arith.constant 0 : i32
    %dma_start3A_70 = tpu.memref_slice %arg4[%add3A_66, %dma_start3A_69] : memref<16384x128xf32, #tpu.memory_space<hbm>> -> memref<128x128xf32, #tpu.memory_space<hbm>>
    tpu.enqueue_dma source(%arg10 : memref<128x128xf32, #tpu.memory_space<vmem>>) target(%dma_start3A_70 : memref<128x128xf32, #tpu.memory_space<hbm>>) target_semaphore(%arg12 : memref<!tpu.dma_semaphore, #tpu.memory_space<semaphore_mem>>)
    %dma_wait3A_71 = arith.constant 0 : i32
    %dma_wait3A_72 = tpu.memref_slice %arg4[%add3A_33, %dma_wait3A_71] : memref<16384x128xf32, #tpu.memory_space<hbm>> -> memref<128x128xf32, #tpu.memory_space<hbm>>
    %dma_wait3A_73 = arith.constant 0 : i32
    %dma_wait3A_74 = tpu.memref_slice %arg4[%add3A_33, %dma_wait3A_73] : memref<16384x128xf32, #tpu.memory_space<hbm>> -> memref<128x128xf32, #tpu.memory_space<hbm>>
    tpu.wait_dma2 semaphore(%arg12 : memref<!tpu.dma_semaphore, #tpu.memory_space<semaphore_mem>>) src(%arg7 : memref<128x128xf32, #tpu.memory_space<vmem>>) dst(%dma_wait3A_74 : memref<128x128xf32, #tpu.memory_space<hbm>>)
    %dma_wait3A_75 = arith.constant 0 : i32
    %dma_wait3A_76 = tpu.memref_slice %arg4[%add3A_44, %dma_wait3A_75] : memref<16384x128xf32, #tpu.memory_space<hbm>> -> memref<128x128xf32, #tpu.memory_space<hbm>>
    %dma_wait3A_77 = arith.constant 0 : i32
    %dma_wait3A_78 = tpu.memref_slice %arg4[%add3A_44, %dma_wait3A_77] : memref<16384x128xf32, #tpu.memory_space<hbm>> -> memref<128x128xf32, #tpu.memory_space<hbm>>
    tpu.wait_dma2 semaphore(%arg12 : memref<!tpu.dma_semaphore, #tpu.memory_space<semaphore_mem>>) src(%arg8 : memref<128x128xf32, #tpu.memory_space<vmem>>) dst(%dma_wait3A_78 : memref<128x128xf32, #tpu.memory_space<hbm>>)
    %dma_wait3A_79 = arith.constant 0 : i32
    %dma_wait3A_80 = tpu.memref_slice %arg4[%add3A_55, %dma_wait3A_79] : memref<16384x128xf32, #tpu.memory_space<hbm>> -> memref<128x128xf32, #tpu.memory_space<hbm>>
    %dma_wait3A_81 = arith.constant 0 : i32
    %dma_wait3A_82 = tpu.memref_slice %arg4[%add3A_55, %dma_wait3A_81] : memref<16384x128xf32, #tpu.memory_space<hbm>> -> memref<128x128xf32, #tpu.memory_space<hbm>>
    tpu.wait_dma2 semaphore(%arg12 : memref<!tpu.dma_semaphore, #tpu.memory_space<semaphore_mem>>) src(%arg9 : memref<128x128xf32, #tpu.memory_space<vmem>>) dst(%dma_wait3A_82 : memref<128x128xf32, #tpu.memory_space<hbm>>)
    %dma_wait3A_83 = arith.constant 0 : i32
    %dma_wait3A_84 = tpu.memref_slice %arg4[%add3A_66, %dma_wait3A_83] : memref<16384x128xf32, #tpu.memory_space<hbm>> -> memref<128x128xf32, #tpu.memory_space<hbm>>
    %dma_wait3A_85 = arith.constant 0 : i32
    %dma_wait3A_86 = tpu.memref_slice %arg4[%add3A_66, %dma_wait3A_85] : memref<16384x128xf32, #tpu.memory_space<hbm>> -> memref<128x128xf32, #tpu.memory_space<hbm>>
    tpu.wait_dma2 semaphore(%arg12 : memref<!tpu.dma_semaphore, #tpu.memory_space<semaphore_mem>>) src(%arg10 : memref<128x128xf32, #tpu.memory_space<vmem>>) dst(%dma_wait3A_86 : memref<128x128xf32, #tpu.memory_space<hbm>>)
    return
  }
}

</mosaic_0001>

<sc_bundles>
// kernel: kernel.3.cloned.1.call-start
scs
__scs_entry_jumppad:
0x0: {  	(pc) =	sbr.rel $0x88, $3  }
0x1: {  	(tag) =	ssettag $0x0;
	lr =	simm.s32 $0x1  }
0x2: {  	[smem:$0x3F9F] =	sst lr;
	_ =	strace $0xD0000000  }
0x3: {  	_ = 	snop  }
0x4: {  	_ = 	snop  }
0x5: {  	_ = 	snop  }
0x6: {  	_ = 	snop  }
0x7: {  	_ = 	snop  }
__scs_overlays_trampoline_lowered:
0x8: {  	[smem:$0x3FAE] =	sst s0  }
0x9: {  	[smem:$0x3FAF] =	sst s1  }
0xa: {  	[smem:$0x3FB0] =	sst s2  }
0xb: {  	[smem:$0x3FB1] =	sst s3  }
0xc: {  	[smem:$0x3FB2] =	sst s4  }
0xd: {  	[smem:$0x3FB3] =	sst s5  }
0xe: {  	[smem:$0x3FB4] =	sst s6  }
0xf: {  	[smem:$0x3FB5] =	sst s7  }
0x10: {  	[smem:$0x3FB6] =	sst s8  }
0x11: {  	[smem:$0x3FB7] =	sst s9;
	s0 =	simm.s32 @!p0 $0x0  }
0x12: {  	s1 =	sld [smem:$0x3F9D];
	s0 =	simm.s32 @p0 $0x1  }
0x13: {  	[smem:$0x3FB8] =	sst s0;
	s0 =	simm.s32 @!p1 $0x0  }
0x14: {  	s2 =	sld [smem:$0x3F9C];
	s0 =	simm.s32 @p1 $0x1  }
0x15: {  	[smem:$0x3FB9] =	sst s0;
	s0 =	simm.s32 @!p2 $0x0  }
0x16: {  	s3 =	sld [smem:$0x3FDB];
	s0 =	simm.s32 @p2 $0x1  }
0x17: {  	s4 =	simm.s32 $0x1BF5;
	[smem:$0x3FBB] =	sst s0  }
0x18: {  	s0 =	sld [smem:$0x3F9E];
	_ =	swait.ge [sflag:s4], $0x0  }
0x19: {  	s7 =	sld [smem:$0x3F9F]  }
0x1a: {  	s8 =	sadd.s32 $0xFFFFE003, lr  }
0x1b: {  	s9 =	sadd.s32 $0xFFFFFEF7, lr;
	s5 =	simm.s32 $0xFFFFFFFF;
	p2 =	slt.u32 s8, $0xFFFFF086  }
0x1c: {  	p1 =	slt.u32 s9, $0xF7A;
	s5 =	simm.s32 @!p2 $0x0  }
0x1d: {  	s5 =	simm.s32 @p1 $0x1;
	p0 =	seq.s32 s7, s2  }
0x1e: {  	s7 =	smul.u32 @!p0 $0xF7A, s2;
	p2 =	seq.s32 @!p0 s5, $0x0  }
0x1f: {  	s9 =	smul.u32 $0xF7A, s1;
	s8 =	simm.s32 @!p0 $0x1BF5;
	p2 =	por !p2, p0  }
0x20: {  	[sflag:s8] =	ssyncset.s32 @!p0 $0xFFFFF086;
	s6 =	sadd.s32 @!p0 s3, s7;
	s7 =	simm.s32 @!p0 $0x108  }
0x21: {  	s3 =	sadd.s32 s3, s9;
	s6 =	sadd.s32 @!p0 $0x88, s6;
	s7 =	simm.s32 @p2 $0x1082  }
0x22: {  	[simem:s7], [sflag:s8] =	dma.local @!p0 [hbm:s6], $0xF7A  }
0x23: {  	s9 =	sor.u32 $0xD0000000, s2;
	s6 =	simm.s32 $0x108;
	_ =	swait.ge @!p0 [sflag:s8], $0x0  }
0x24: {  	s3 =	sadd.s32 $0x88, s3;
	s6 =	simm.s32 @!p1 $0x1082;
	[sflag:s4] =	ssyncset.s32 $0xFFFFF086  }
0x25: {  	[simem:s6], [sflag:s4] =	dma.local [hbm:s3], $0xF7A  }
0x26: {  	[smem:$0x3F9F] =	sst s1;
	(tag) =	ssettag s2;
	_ =	strace s9  }
0x27: {  	s1 =	sld [smem:$0x3FAF]  }
0x28: {  	s2 =	sld [smem:$0x3FB0]  }
0x29: {  	s4 =	sld [smem:$0x3FB2]  }
0x2a: {  	p0 =	seq.s32 s5, $0x0;
	s5 =	sld [smem:$0x3FB3]  }
0x2b: {  	s6 =	sld [smem:$0x3FB4]  }
0x2c: {  	s7 =	sld [smem:$0x3FB5]  }
0x2d: {  	s3 =	simm.s32 $0x108;
	s8 =	sld [smem:$0x3FB6]  }
0x2e: {  	s3 =	simm.s32 @!p0 $0x1082;
	s9 =	sld [smem:$0x3FB7]  }
0x2f: {  	lr =	sadd.s32 s0, s3;
	s0 =	sld [smem:$0x3FAE]  }
0x30: {  	s3 =	sld [smem:$0x3FB1]  }
0x31: {  	[smem:$0x3FBA] =	sst s10  }
0x32: {  	s10 =	sld [smem:$0x3FB8];
	_ =	sdelay $0x3  }
0x33: {  	p0 =	seq.s32 s10, $0x1;
	s10 =	sld [smem:$0x3FBA];
	_ =	sdelay $0x3  }
0x34: {  	[smem:$0x3FBA] =	sst s10  }
0x35: {  	s10 =	sld [smem:$0x3FB9];
	_ =	sdelay $0x3  }
0x36: {  	p1 =	seq.s32 s10, $0x1;
	s10 =	sld [smem:$0x3FBA];
	_ =	sdelay $0x3  }
0x37: {  	[smem:$0x3FBA] =	sst s10  }
0x38: {  	s10 =	sld [smem:$0x3FBB]  }
0x39: {  	_ = 	snop;
	(pc) =	sbr.ind lr, $3  }
0x3a: {  	_ = 	snop  }
0x3b: {  	_ = 	snop  }
0x3c: {  	p2 =	seq.s32 s10, $0x1;
	s10 =	sld [smem:$0x3FBA]  }
0x3d: {  	_ =	shalt  }
0x3e: {  	_ =	shalt  }
0x3f: {  	_ =	shalt  }
0x40: {  	_ =	shalt  }
0x41: {  	_ =	shalt  }
0x42: {  	_ =	shalt  }
0x43: {  	_ =	shalt  }
0x44: {  	_ =	shalt  }
0x45: {  	_ =	shalt  }
0x46: {  	_ =	shalt  }
0x47: {  	_ =	shalt  }
0x48: {  	_ =	shalt  }
0x49: {  	_ =	shalt  }
0x4a: {  	_ =	shalt  }
0x4b: {  	_ =	shalt  }
0x4c: {  	_ =	shalt  }
0x4d: {  	_ =	shalt  }
0x4e: {  	_ =	shalt  }
0x4f: {  	_ =	shalt  }
0x50: {  	_ =	shalt  }
0x51: {  	_ =	shalt  }
0x52: {  	_ =	shalt  }
0x53: {  	_ =	shalt  }
0x54: {  	_ =	shalt  }
0x55: {  	_ =	shalt  }
0x56: {  	_ =	shalt  }
0x57: {  	_ =	shalt  }
0x58: {  	_ =	shalt  }
0x59: {  	_ =	shalt  }
0x5a: {  	_ =	shalt  }
0x5b: {  	_ =	shalt  }
0x5c: {  	_ =	shalt  }
0x5d: {  	_ =	shalt  }
0x5e: {  	_ =	shalt  }
0x5f: {  	_ =	shalt  }
0x60: {  	_ =	shalt  }
0x61: {  	_ =	shalt  }
0x62: {  	_ =	shalt  }
0x63: {  	_ =	shalt  }
0x64: {  	_ =	shalt  }
0x65: {  	_ =	shalt  }
0x66: {  	_ =	shalt  }
0x67: {  	_ =	shalt  }
0x68: {  	_ =	shalt  }
0x69: {  	_ =	shalt  }
0x6a: {  	_ =	shalt  }
0x6b: {  	_ =	shalt  }
0x6c: {  	_ =	shalt  }
0x6d: {  	_ =	shalt  }
0x6e: {  	_ =	shalt  }
0x6f: {  	_ =	shalt  }
0x70: {  	_ =	shalt  }
0x71: {  	_ =	shalt  }
0x72: {  	_ =	shalt  }
0x73: {  	_ =	shalt  }
0x74: {  	_ =	shalt  }
0x75: {  	_ =	shalt  }
0x76: {  	_ =	shalt  }
0x77: {  	_ =	shalt  }
0x78: {  	_ =	shalt  }
0x79: {  	_ =	shalt  }
0x7a: {  	_ =	shalt  }
0x7b: {  	_ =	shalt  }
0x7c: {  	_ =	shalt  }
0x7d: {  	_ =	shalt  }
0x7e: {  	_ =	shalt  }
0x7f: {  	_ =	shalt  }
0x80: {  	_ =	shalt  }
0x81: {  	_ =	shalt  }
0x82: {  	_ =	shalt  }
0x83: {  	_ =	shalt  }
0x84: {  	_ =	shalt  }
0x85: {  	_ =	shalt  }
0x86: {  	_ =	shalt  }
0x87: {  	_ =	shalt  }
.Lfunc_end0:
.L_simem_size_0:
called_computation_lowered:
.L_overlay_start_0:
0x88: {  	s2 =	sld [smem:$0x3FD9]  }
0x89: {  	s3 =	sld [smem:$0x3FFE];
	_ =	sdelay $0x1  }
0x8a: {  	s1 =	srdreg.scid  }
0x8b: {  	s0 =	sand.u32 $0x1, s1  }
0x8c: {  	s18 =	sshll.u32 s0, $0xA;
	s2 =	sadd.s32 s3, s2  }
0x8d: {  	s2 =	sadd.s32 s2, s18  }
0x8e: {  	[smem:$0x3FC6] =	sst s2  }
0x8f: {  	_ = 	snop  }
0x90: {  	s2 =	sld [smem:$0x3FC9]  }
0x91: {  	s19 =	sld [smem:$0x3FC8]  }
0x92: {  	s4 =	sld [smem:$0x3FD0];
	(tm) =	ssettm $0x1  }
0x93: {  	s5 =	sld [smem:$0x3FFB];
	_ =	sdelay $0x3  }
0x94: {  	_ =	strace s5  }
0x95: {  	s5 =	sld [smem:$0x3FFC];
	_ =	sdelay $0x3  }
0x96: {  	_ =	strace s5  }
0x97: {  	s5 =	sld [smem:$0x3FFD];
	_ =	sdelay $0x3  }
0x98: {  	_ =	strace s5  }
0x99: {  	_ =	strace $0x8FFFFFFF  }
0x9a: {  	s20 =	sld [smem:$0x3FDB];
	_ =	sdelay $0x1  }
0x9b: {  	s6 =	simm.s32 $_scs_section_size  }
0x9c: {  	s7 =	simm.s32 $_size__tile_overlayer_lowered;
	s8 =	simm.s32 $_tile_overlayer_lowered  }
0x9d: {  	s23 =	simm.s32 $0x1BFF;
	s22 =	sshll.u32 s8, $0x1;
	s5 =	sadd.s32 s6, s20  }
0x9e: {  	s9 =	simm.s32 $0x0;
	s21 =	sshll.u32 s7, $0x1;
	s7 =	sadd.s32 s22, s5  }
0x9f: {  	[timem:s9], [sflag:s23] =	dma.local [hbm:s7], s21  }
0xa0: {  	_ =	swait.ge [sflag:s23], s21  }
0xa1: {  	s6 =	ssub.s32 $0x0, s21;
	[sflag:s23] =	ssyncset.done $0x0  }
0xa2: {  	[sflag:s23] =	ssyncadd.s32 s6;
	_ =	sdelay $0x1  }
0xa3: {  	s24 =	simm.s32 $0x1B8B  }
0xa4: {  	_ =	swait.ge [sflag:s24], $0x1  }
0xa5: {  	[sflag:s24] =	ssyncset.done $0x0  }
0xa6: {  	s25 =	simm.s32 $0x1B8E;
	[sflag:s24] =	ssyncadd.s32 $0xFFFFFFFF  }
0xa7: {  	s26 =	simm.s32 $execute0_lowered;
	[smem:$0x3FD2] =	sst s25  }
0xa8: {  	s6 =	sshll.u32 s26, $0x1;
	_ =	strace $0x80000046;
	[dreg:$0x1] =	wrdreg $0xFFFFFFFF  }
0xa9: {  	s28 =	simm.s32 $_size_execute0_lowered;
	s5 =	sadd.s32 s5, s6;
	[dreg:$0x0] =	wrdreg $0x0  }
0xaa: {  	s6 =	sshll.u32 s28, $0x1;
	[dreg:$0x2] =	wrdreg s5  }
0xab: {  	[dreg:$0x3] =	wrdreg s6  }
0xac: {  	[dreg:$0x4] =	wrdreg $0xC0  }
0xad: {  	_ =	task [dreg:s9], $0x5FFFF  }
0xae: {  	[dreg:$0x1] =	wrdreg $0xFFFFFFFF  }
0xaf: {  	[dreg:$0x0] =	wrdreg $0x60  }
0xb0: {  	[dreg:$0x2] =	wrdreg s19  }
0xb1: {  	[dreg:$0x3] =	wrdreg s2  }
0xb2: {  	[dreg:$0x4] =	wrdreg s4  }
0xb3: {  	[dreg:$0x5] =	wrdreg $0x0  }
0xb4: {  	[dreg:$0x6] =	wrdreg $0x9  }
0xb5: {  	_ =	task.clear_ibuf [dreg:s9], $0x7FFFF;
	_ =	strace $0x90000046  }
0xb6: {  	s29 =	simm.s32 $0x9;
	_ =	strace $0x80000048  }
0xb7: {  	_ =	swait.ge [sflag:s29], $0x1  }
0xb8: {  	[sflag:s29] =	ssyncadd.s32 $0xFFFFFFFF  }
0xb9: {  	_ =	strace $0x90000048  }
0xba: {  	_ =	sfence  }
0xbb: {  	s30 =	sld [smem:$0x0];
	_ =	sdelay $0x2  }
0xbc: {  	s31 =	sshll.u32 s1, $0xD;
	s1 =	sshrl.u32 s1, $0x2  }
0xbd: {  	s3 =	sand.u32 $0x4000, s31;
	s1 =	sadd.s32 s1, s30  }
0xbe: {  	s0 =	sor.u32 s3, s0;
	s1 =	sshll.u32 s1, $0x11  }
0xbf: {  	s0 =	sor.u32 s1, s0  }
0xc0: {  	s0 =	sadd.s32 $0x8F2B, s0  }
0xc1: {  	[sflag:s0] =	ssyncadd.remote.s32 $0x1  }
0xc2: {  	_ =	sfence.sel $0xFFFF  }
0xc3: {  	[dreg:$0x0] =	wrdreg $0xFFFFFFFF;
	(pc) =	sbr.abs _section_cstart, $3  }
0xc4: {  	[dreg:$0x1] =	wrdreg $0xFFFFFFFF  }
0xc5: {  	_ =	task.clear_ibuf [dreg:s9], $0x2FFFF;
	_ =	strace $0x9FFFFFFF  }
0xc6: {  	(tm) =	ssettm $0x7FFFFFFF  }
0xc7: {  	_ =	shalt  }
tec
execute0_lowered:
.L_overlay_start_1:
0x0: {  	(tag) =	ssettag $0x1  }
0x1: {  	s11 =	rddreg [dreg:$0x0]  }
0x2: {  	s4 =	rddreg [dreg:$0x1]  }
0x3: {  	s1 =	srdreg.scid;
	s24 =	rddreg [dreg:$0x2]  }
0x4: {  	s0 =	stileid.u32;
	s2 =	rddreg [dreg:$0x3];
	s3 =	simm.s32 $0x0  }
0x5: {  	s7 =	simm.s32 $0x3;
	s30 =	sand.u32 $0x1, s1;
	s1 =	rddreg [dreg:$0x4]  }
0x6: {  	s5 =	sshll.u32 s0, $0xA;
	[smem:$0x7FF] =	sst s3;
	s6 =	sshll.u32 s30, $0x9  }
0x7: {  	s8 =	sadd.s32 $0x1C000, s2;
	p0 =	sgt.u32 s0, $0x6;
	s25 =	sor.u32 s6, s5  }
0x8: {  	s9 =	sshll.u32 s0, $0xE;
	_ =	strace $0x80000047;
	s5 =	sshrl.u32 s25, $0x3  }
0x9: {  	p1 =	sne.s32 @p0 s0, $0x7;
	s6 =	simm.s32 $0x1F40;
	s4 =	sadd.s32 s4, s5  }
0xa: {  	[tilespmem:s6], [sflag:$0x3] =	stream.linear.gather [hbm4b:s4+s3], $0x200, $0x38;
	[tilespmem:$0x12140] =	vst v63  }
0xb: {  	s13 =	sadd.s32 s9, s2;
	p1 =	por p1, !p0;
	_ =	swait.ge [sflag:s7], $0x200  }
0xc: {  	s8 =	sshrl.u32 @!p1 s8, $0x3;
	s9 =	simm.s32 @!p1 $0x1DC3;
	[sflag:s7] =	ssyncset.done $0x0  }
0xd: {  	s10 =	simm.s32 @!p1 $0x3;
	s5 =	sadd.s32 $0x3800, s11;
	[sflag:s7] =	ssyncadd.s32 $0xFFFFFE00  }
0xe: {  	[spmem:s8], [sflag:s9] =	dma.local @!p1 [hbm:s5], $0x680  }
0xf: {  	s12 =	sshll.u32 s0, $0xB;
	s14 =	sshll.u32 @!p0 s0, $0x6;
	_ =	swait.ge @!p1 [sflag:s10], $0x680  }
0x10: {  	s13 =	sshrl.u32 @!p0 s13, $0x3;
	s11 =	sadd.s32 s11, s12;
	[sflag:s10] =	ssyncset.done @!p1 $0x0  }
0x11: {  	s12 =	sor.u32 @!p0 $0x1C03, s14;
	s14 =	simm.s32 @!p0 $0x3;
	[sflag:s10] =	ssyncadd.s32 @!p1 $0xFFFFF980  }
0x12: {  	[spmem:s13], [sflag:s12] =	dma.local @!p0 [hbm:s11], $0x800  }
0x13: {  	_ =	swait.ge @!p0 [sflag:s14], $0x800  }
0x14: {  	[sflag:s14] =	ssyncset.done @!p0 $0x0  }
0x15: {  	[sflag:s14] =	ssyncadd.s32 @!p0 $0xFFFFF800  }
0x16: {  	s15 =	simm.s32 $0x80;
	s16 =	simm.s32 $0x2140;
	[bflag:$0x0] =	sbarrier.arrive $0xFFFF  }
0x17: {  	[tilespmem:s16], [sflag:$0x1] =	stream.indirect.gather [spmem:s2], $0x80, s6, s15, $0xb8;
	[tilespmem:$0x12140] =	vst v63  }
0x18: {  	s17 =	simm.s32 $0x1FC0;
	s18 =	simm.s32 $0x6140  }
0x19: {  	[tilespmem:s18], [sflag:$0x1] =	stream.indirect.gather [spmem:s2], $0x80, s17, s15, $0xb8;
	[tilespmem:$0x12140] =	vst v63  }
0x1a: {  	s19 =	simm.s32 $0x2040;
	s20 =	simm.s32 $0xA140  }
0x1b: {  	[tilespmem:s20], [sflag:$0x1] =	stream.indirect.gather [spmem:s2], $0x80, s19, s15, $0xb8;
	[tilespmem:$0x12140] =	vst v63  }
0x1c: {  	s21 =	simm.s32 $0x20C0;
	s22 =	simm.s32 $0xE140;
	s23 =	simm.s32 $0x1  }
0x1d: {  	[tilespmem:s22], [sflag:$0x1] =	stream.indirect.gather [spmem:s2], $0x80, s21, s15, $0xb8;
	[tilespmem:$0x12140] =	vst v63  }
0x1e: {  	_ =	swait.ge [sflag:s23], $0x4000  }
0x1f: {  	s25 =	sshll.u32 s25, $0x4;
	[sflag:s23] =	ssyncset.done $0x0  }
0x20: {  	s24 =	sadd.s32 s24, s25;
	[sflag:s23] =	ssyncadd.s32 $0xFFFFC000  }
0x21: {  	[hbm4b:s24+s3] =	stream.linear.scatter [tilespmem:s16], [sflag:$0x2], $0x4000, $0x38;
	[tilespmem:$0x12140] =	vst v63  }
0x22: {  	_ =	swait.ge [sflag:s23], $0x4000  }
0x23: {  	[sflag:s23] =	ssyncset.done $0x0  }
0x24: {  	s25 =	sadd.s32 $0x800, s24;
	[sflag:s23] =	ssyncadd.s32 $0xFFFFC000  }
0x25: {  	[hbm4b:s25+s3] =	stream.linear.scatter [tilespmem:s18], [sflag:$0x2], $0x4000, $0x38;
	[tilespmem:$0x12140] =	vst v63  }
0x26: {  	_ =	swait.ge [sflag:s23], $0x4000  }
0x27: {  	[sflag:s23] =	ssyncset.done $0x0  }
0x28: {  	s26 =	sadd.s32 $0x1000, s24;
	[sflag:s23] =	ssyncadd.s32 $0xFFFFC000  }
0x29: {  	[hbm4b:s26+s3] =	stream.linear.scatter [tilespmem:s20], [sflag:$0x2], $0x4000, $0x38;
	[tilespmem:$0x12140] =	vst v63  }
0x2a: {  	_ =	swait.ge [sflag:s23], $0x4000  }
0x2b: {  	[sflag:s23] =	ssyncset.done $0x0  }
0x2c: {  	s29 =	simm.s32 $0x2;
	s28 =	sadd.s32 $0x1800, s24;
	[sflag:s23] =	ssyncadd.s32 $0xFFFFC000  }
0x2d: {  	[hbm4b:s28+s3] =	stream.linear.scatter [tilespmem:s22], [sflag:$0x2], $0x4000, $0x38;
	[tilespmem:$0x12140] =	vst v63  }
0x2e: {  	s30 =	ssub.s32 $0x2, s30;
	_ =	swait.ge [sflag:s29], $0x4000  }
0x2f: {  	s31 =	sshrl.u32 s30, $0x1;
	[sflag:s29] =	ssyncset.done $0x0  }
0x30: {  	s30 =	ssub.s32 s30, s31;
	[sflag:s29] =	ssyncadd.s32 $0xFFFFC000  }
0x31: {  	s30 =	smax.u32 s30, $0x1;
	_ =	swait.ge [sflag:s29], $0x4000  }
0x32: {  	s30 =	sadd.s32 $0xFFFFFFFF, s30;
	[sflag:s29] =	ssyncset.done $0x0  }
0x33: {  	p2 =	sne.s32 s30, $0x0;
	[sflag:s29] =	ssyncadd.s32 $0xFFFFC000  }
.Ltmp0:
0x34: {  	_ =	swait.ge [sflag:s29], $0x4000;
	(pc) =	sbr.rel @!p2 .LBB2_2-.Ltmp0, $4  }
0x35: {  	[sflag:s29] =	ssyncset.done $0x0  }
0x36: {  	[sflag:s29] =	ssyncadd.s32 $0xFFFFC000  }
0x37: {  	_ =	swait.ge [sflag:s29], $0x4000  }
0x38: {  	[sflag:s29] =	ssyncset.done $0x0  }
.LBB2_1:
0x39: {  	s30 =	sadd.s32 $0xFFFFFFFF, s30;
	[sflag:s29] =	ssyncadd.s32 $0xFFFFC000  }
0x3a: {  	[tilespmem:s6], [sflag:$0x3] =	stream.linear.gather [hbm4b:s4+s3], $0x200, $0x38;
	[tilespmem:$0x12140] =	vst v63  }
0x3b: {  	p2 =	sne.s32 s30, $0x0;
	_ =	swait.ge [sflag:s7], $0x200  }
0x3c: {  	[sflag:s7] =	ssyncset.done $0x0  }
0x3d: {  	[sflag:s7] =	ssyncadd.s32 $0xFFFFFE00  }
0x3e: {  	[spmem:s8], [sflag:s9] =	dma.local @!p1 [hbm:s5], $0x680  }
0x3f: {  	_ =	swait.ge @!p1 [sflag:s10], $0x680  }
0x40: {  	[sflag:s10] =	ssyncset.done @!p1 $0x0  }
0x41: {  	[sflag:s10] =	ssyncadd.s32 @!p1 $0xFFFFF980  }
0x42: {  	[spmem:s13], [sflag:s12] =	dma.local @!p0 [hbm:s11], $0x800  }
0x43: {  	_ =	swait.ge @!p0 [sflag:s14], $0x800  }
0x44: {  	[sflag:s14] =	ssyncset.done @!p0 $0x0  }
0x45: {  	[sflag:s14] =	ssyncadd.s32 @!p0 $0xFFFFF800  }
0x46: {  	[bflag:$0x0] =	sbarrier.arrive $0xFFFF  }
0x47: {  	[tilespmem:s16], [sflag:$0x1] =	stream.indirect.gather [spmem:s2], $0x80, s6, s15, $0xb8;
	[tilespmem:$0x12140] =	vst v63  }
0x48: {  	_ = 	snop  }
0x49: {  	[tilespmem:s18], [sflag:$0x1] =	stream.indirect.gather [spmem:s2], $0x80, s17, s15, $0xb8;
	[tilespmem:$0x12140] =	vst v63  }
0x4a: {  	_ = 	snop  }
0x4b: {  	[tilespmem:s20], [sflag:$0x1] =	stream.indirect.gather [spmem:s2], $0x80, s19, s15, $0xb8;
	[tilespmem:$0x12140] =	vst v63  }
0x4c: {  	_ = 	snop  }
0x4d: {  	[tilespmem:s22], [sflag:$0x1] =	stream.indirect.gather [spmem:s2], $0x80, s21, s15, $0xb8;
	[tilespmem:$0x12140] =	vst v63  }
0x4e: {  	_ =	swait.ge [sflag:s23], $0x4000  }
0x4f: {  	[sflag:s23] =	ssyncset.done $0x0  }
0x50: {  	[sflag:s23] =	ssyncadd.s32 $0xFFFFC000  }
0x51: {  	[hbm4b:s24+s3] =	stream.linear.scatter [tilespmem:s16], [sflag:$0x2], $0x4000, $0x38;
	[tilespmem:$0x12140] =	vst v63  }
0x52: {  	_ =	swait.ge [sflag:s23], $0x4000  }
0x53: {  	[sflag:s23] =	ssyncset.done $0x0  }
0x54: {  	[sflag:s23] =	ssyncadd.s32 $0xFFFFC000  }
0x55: {  	[hbm4b:s25+s3] =	stream.linear.scatter [tilespmem:s18], [sflag:$0x2], $0x4000, $0x38;
	[tilespmem:$0x12140] =	vst v63  }
0x56: {  	_ =	swait.ge [sflag:s23], $0x4000  }
0x57: {  	[sflag:s23] =	ssyncset.done $0x0  }
0x58: {  	[sflag:s23] =	ssyncadd.s32 $0xFFFFC000  }
0x59: {  	[hbm4b:s26+s3] =	stream.linear.scatter [tilespmem:s20], [sflag:$0x2], $0x4000, $0x38;
	[tilespmem:$0x12140] =	vst v63  }
0x5a: {  	_ =	swait.ge [sflag:s23], $0x4000  }
0x5b: {  	[sflag:s23] =	ssyncset.done $0x0  }
0x5c: {  	[sflag:s23] =	ssyncadd.s32 $0xFFFFC000  }
0x5d: {  	[hbm4b:s28+s3] =	stream.linear.scatter [tilespmem:s22], [sflag:$0x2], $0x4000, $0x38;
	[tilespmem:$0x12140] =	vst v63  }
0x5e: {  	_ =	swait.ge [sflag:s29], $0x4000  }
0x5f: {  	[sflag:s29] =	ssyncset.done $0x0  }
0x60: {  	[sflag:s29] =	ssyncadd.s32 $0xFFFFC000  }
0x61: {  	_ =	swait.ge [sflag:s29], $0x4000  }
0x62: {  	[sflag:s29] =	ssyncset.done $0x0  }
0x63: {  	[sflag:s29] =	ssyncadd.s32 $0xFFFFC000  }
.Ltmp1:
0x64: {  	_ =	swait.ge [sflag:s29], $0x4000;
	(pc) =	sbr.rel @p2 .LBB2_1-.Ltmp1, $4  }
0x65: {  	[sflag:s29] =	ssyncset.done $0x0  }
0x66: {  	[sflag:s29] =	ssyncadd.s32 $0xFFFFC000  }
0x67: {  	_ =	swait.ge [sflag:s29], $0x4000  }
0x68: {  	[sflag:s29] =	ssyncset.done $0x0  }
.LBB2_2:
0x69: {  	[sflag:s29] =	ssyncadd.s32 $0xFFFFC000  }
0x6a: {  	_ =	sfence.sel $0x180000  }
0x6b: {  	[bflag:$0x0] =	sbarrier.arrive $0xFFFF  }
0x6c: {  	p0 =	sne.s32 s0, $0x0;
	_ =	strace $0x90000047  }
0x6d: {  	s0 =	sadd.s32 @!p0 $0x100000, s1;
	[bflag:$0x2] =	sbarrier.arrive $0xFFFF  }
0x6e: {  	[sflag:s0] =	ssyncadd.tile.s32 @!p0 $0x1;
	_ =	shalt  }
.Lfunc_end2:
_tile_overlayer_lowered:
.L_overlay_start_2:
0x6f: {  	(tag) =	ssettag $0x2  }
0x70: {  	s0 =	rddreg [dreg:$0x0];
	s2 =	stileid.u32  }
0x71: {  	s1 =	rddreg [dreg:$0x1];
	p0 =	sne.s32 s2, $0x0  }
0x72: {  	s3 =	rddreg [dreg:$0x2];
	[bflag:$0x3] =	sbarrier.arrive $0xFFFF;
	s2 =	simm.s32 @!p0 $0x1C03  }
0x73: {  	[timem:s3], [sflag:s2] =	dma.local @!p0 [hbm:s0], s1  }
0x74: {  	s0 =	simm.s32 @!p0 $0x3  }
0x75: {  	_ =	swait.ge @!p0 [sflag:s0], s1  }
0x76: {  	s1 =	ssub.s32 @!p0 $0x0, s1;
	[sflag:s0] =	ssyncset.done @!p0 $0x0  }
0x77: {  	[sflag:s0] =	ssyncadd.s32 @!p0 s1  }
0x78: {  	[bflag:$0x3] =	sbarrier.arrive $0xFFFF  }
0x79: {  	_ =	shalt  }

</sc_bundles>
